<compile_context>
chip_gen: v7x
topology: tpu7x:2x2x1
jax: 0.10.2.dev20260603
libtpu: 0.0.44.dev20260713+nightly
codegen_flags: <defaults>
</compile_context>

<pallas_src>
import functools

import jax
import jax.numpy as jnp
from jax import lax
from jax.experimental import pallas as pl
from jax.experimental.pallas import tpu as pltpu
from jax.experimental.pallas import tpu_sc as plsc


@functools.lru_cache(maxsize=None)
def _build(num_elems: int):
    mesh = plsc.VectorSubcoreMesh(core_axis_name="c", subcore_axis_name="s")

    @functools.partial(
        pl.kernel,
        mesh=mesh,
        out_type=[
            jax.ShapeDtypeStruct((num_elems,), jnp.int32),
            jax.ShapeDtypeStruct((num_elems,), jnp.float32),
        ],
        scratch_types=[
            pltpu.VMEM((16,), jnp.float32),
        ],
    )
    def floor_probe(w_hbm, ids_hbm, wout_hbm, w_v):
        wid = lax.axis_index("s") * 2 + lax.axis_index("c")

        @pl.when(wid == 0)
        def _():
            pltpu.sync_copy(w_hbm.at[pl.ds(0, 16)], w_v)
            pltpu.sync_copy(w_v, wout_hbm.at[pl.ds(0, 16)])

    return floor_probe


def kernel(topk_ids, topk_weights):
    t, k = topk_ids.shape
    ids_flat, w_flat = _build(t * k)(topk_weights.reshape(t * k))
    return ids_flat.reshape(t, k), w_flat.reshape(t, k)

# --- scband reference (transcript-rebuilt; emitter-appended) ---
"""Pipeline reference for scband-fake-balance-expert-64518998721132 (READ-ONLY COPY).

The authoritative reference and input builder live on the scoring server;
editing this copy changes nothing except your own understanding.
"""

import jax, jax.numpy as jnp
import numpy as np

EXPERT_NUM = 64
MOE_K = 2
DP_RANK = 0
DP_SIZE = 8
EP_SIZE = 8
T = 16384


def setup_inputs(seed: int = 0) -> dict:
    key = jax.random.key(seed)
    k1, k2 = jax.random.split(key)
    topk_ids = jax.random.randint(k1, (T, MOE_K), 0, EXPERT_NUM, dtype=jnp.int32)
    topk_weights = jax.random.uniform(k2, (T, MOE_K), dtype=jnp.float32)
    return {"topk_ids": topk_ids, "topk_weights": topk_weights}


def reference(topk_ids, topk_weights):
    # FakeBalanceExpertOp: overwrite router top-k expert ids with a perfectly
    # balanced round-robin assignment across all expert_num experts, offset by
    # this dp_rank's global token position so that every ep rank receives an
    # identical load. topk_weights are renormalized to sum to 1 per token.
    t, k = topk_ids.shape
    global_slot = DP_RANK * t * k + jnp.arange(t * k, dtype=topk_ids.dtype)
    balanced_ids = (global_slot % EXPERT_NUM).reshape(t, k).astype(topk_ids.dtype)
    denom = jnp.sum(topk_weights, axis=-1, keepdims=True)
    balanced_weights = topk_weights / jnp.maximum(denom, 1e-9)
    return balanced_ids, balanced_weights

if __name__ == "__main__":
    import jax
    _d = setup_inputs()
    print(jax.jit(kernel)(*tuple(_d.values())))

</pallas_src>

<mosaic_0001>
#map = affine_map<(d0, d1) -> (0)>
module attributes {stable_mosaic.version = 14 : i64} {
  func.func @floor_probe(%arg0: i32, %arg1: i32, %arg2: memref<32768xf32, #tpu.memory_space<hbm>>, %arg3: memref<32768xi32, #tpu.memory_space<hbm>>, %arg4: memref<32768xf32, #tpu.memory_space<hbm>>, %arg5: memref<16xf32, #tpu.memory_space<vmem>>) attributes {dimension_semantics = [#tpu.dimension_semantics<core_parallel>, #tpu.dimension_semantics<subcore_parallel>], iteration_bounds = array<i64: 2, 16>, scalar_prefetch = 0 : i64, scratch_operands = 1 : i64, tpu.core_type = #tpu.core_type<sc_vector_subcore>, window_params = [{transform_indices = #map}, {transform_indices = #map}, {transform_indices = #map}]} {
    %mul3A = arith.constant 2 : i32
    %mul3A_0 = arith.muli %arg1, %mul3A : i32
    %add3A = arith.addi %mul3A_0, %arg0 : i32
    %eq3A = arith.constant 0 : i32
    %eq3A_1 = arith.cmpi eq, %add3A, %eq3A : i32
    %convert_element_type3A = arith.extui %eq3A_1 : i1 to i32
    %cond3A = arith.constant 0 : i32
    %cond3A_2 = arith.cmpi ne, %convert_element_type3A, %cond3A : i32
    scf.if %cond3A_2 {
      "tpu.region"() ({
        %run_scoped3A = tpu.sem_alloc : memref<!tpu.dma_semaphore, #tpu.memory_space<semaphore_mem>>
        %dma_start3A = arith.constant 0 : i32
        %dma_start3A_3 = tpu.memref_slice %arg2[%dma_start3A] : memref<32768xf32, #tpu.memory_space<hbm>> -> memref<16xf32, #tpu.memory_space<hbm>>
        %dma_start3A_4 = arith.constant 0 : i32
        %dma_start3A_5 = tpu.memref_slice %arg2[%dma_start3A_4] : memref<32768xf32, #tpu.memory_space<hbm>> -> memref<16xf32, #tpu.memory_space<hbm>>
        tpu.enqueue_dma source(%dma_start3A_5 : memref<16xf32, #tpu.memory_space<hbm>>) target(%arg5 : memref<16xf32, #tpu.memory_space<vmem>>) target_semaphore(%run_scoped3A : memref<!tpu.dma_semaphore, #tpu.memory_space<semaphore_mem>>)
        %dma_wait3A = arith.constant 0 : i32
        %dma_wait3A_6 = tpu.memref_slice %arg2[%dma_wait3A] : memref<32768xf32, #tpu.memory_space<hbm>> -> memref<16xf32, #tpu.memory_space<hbm>>
        %dma_wait3A_7 = arith.constant 0 : i32
        %dma_wait3A_8 = tpu.memref_slice %arg2[%dma_wait3A_7] : memref<32768xf32, #tpu.memory_space<hbm>> -> memref<16xf32, #tpu.memory_space<hbm>>
        tpu.wait_dma2 semaphore(%run_scoped3A : memref<!tpu.dma_semaphore, #tpu.memory_space<semaphore_mem>>) src(%dma_wait3A_8 : memref<16xf32, #tpu.memory_space<hbm>>) dst(%arg5 : memref<16xf32, #tpu.memory_space<vmem>>)
        tpu.yield
      }) : () -> ()
      "tpu.region"() ({
        %run_scoped3A = tpu.sem_alloc : memref<!tpu.dma_semaphore, #tpu.memory_space<semaphore_mem>>
        %dma_start3A = arith.constant 0 : i32
        %dma_start3A_3 = tpu.memref_slice %arg4[%dma_start3A] : memref<32768xf32, #tpu.memory_space<hbm>> -> memref<16xf32, #tpu.memory_space<hbm>>
        %dma_start3A_4 = arith.constant 0 : i32
        %dma_start3A_5 = tpu.memref_slice %arg4[%dma_start3A_4] : memref<32768xf32, #tpu.memory_space<hbm>> -> memref<16xf32, #tpu.memory_space<hbm>>
        tpu.enqueue_dma source(%arg5 : memref<16xf32, #tpu.memory_space<vmem>>) target(%dma_start3A_5 : memref<16xf32, #tpu.memory_space<hbm>>) target_semaphore(%run_scoped3A : memref<!tpu.dma_semaphore, #tpu.memory_space<semaphore_mem>>)
        %dma_wait3A = arith.constant 0 : i32
        %dma_wait3A_6 = tpu.memref_slice %arg4[%dma_wait3A] : memref<32768xf32, #tpu.memory_space<hbm>> -> memref<16xf32, #tpu.memory_space<hbm>>
        %dma_wait3A_7 = arith.constant 0 : i32
        %dma_wait3A_8 = tpu.memref_slice %arg4[%dma_wait3A_7] : memref<32768xf32, #tpu.memory_space<hbm>> -> memref<16xf32, #tpu.memory_space<hbm>>
        tpu.wait_dma2 semaphore(%run_scoped3A : memref<!tpu.dma_semaphore, #tpu.memory_space<semaphore_mem>>) src(%arg5 : memref<16xf32, #tpu.memory_space<vmem>>) dst(%dma_wait3A_8 : memref<16xf32, #tpu.memory_space<hbm>>)
        tpu.yield
      }) : () -> ()
    } else {
    }
    return
  }
}

</mosaic_0001>

<sc_bundles>
// kernel: kernel.3.cloned.1.call-start
scs
__scs_entry_jumppad:
0x0: {  	(pc) =	sbr.rel $0x88, $3  }
0x1: {  	(tag) =	ssettag $0x0;
	lr =	simm.s32 $0x1  }
0x2: {  	[smem:$0x3FA0] =	sst lr;
	_ =	strace $0xD0000000  }
0x3: {  	_ = 	snop  }
0x4: {  	_ = 	snop  }
0x5: {  	_ = 	snop  }
0x6: {  	_ = 	snop  }
0x7: {  	_ = 	snop  }
__scs_overlays_trampoline_lowered:
0x8: {  	[smem:$0x3FAF] =	sst s0  }
0x9: {  	[smem:$0x3FB0] =	sst s1  }
0xa: {  	[smem:$0x3FB1] =	sst s2  }
0xb: {  	[smem:$0x3FB2] =	sst s3  }
0xc: {  	[smem:$0x3FB3] =	sst s4  }
0xd: {  	[smem:$0x3FB4] =	sst s5  }
0xe: {  	[smem:$0x3FB5] =	sst s6  }
0xf: {  	[smem:$0x3FB6] =	sst s7  }
0x10: {  	[smem:$0x3FB7] =	sst s8  }
0x11: {  	[smem:$0x3FB8] =	sst s9;
	s0 =	simm.s32 @!p0 $0x0  }
0x12: {  	s1 =	sld [smem:$0x3F9E];
	s0 =	simm.s32 @p0 $0x1  }
0x13: {  	[smem:$0x3FB9] =	sst s0;
	s0 =	simm.s32 @!p1 $0x0  }
0x14: {  	s2 =	sld [smem:$0x3F9D];
	s0 =	simm.s32 @p1 $0x1  }
0x15: {  	[smem:$0x3FBA] =	sst s0;
	s0 =	simm.s32 @!p2 $0x0  }
0x16: {  	s3 =	sld [smem:$0x3FDB];
	s0 =	simm.s32 @p2 $0x1  }
0x17: {  	s4 =	simm.s32 $0x1BF5;
	[smem:$0x3FBC] =	sst s0  }
0x18: {  	s0 =	sld [smem:$0x3F9F];
	_ =	swait.ge [sflag:s4], $0x0  }
0x19: {  	s7 =	sld [smem:$0x3FA0]  }
0x1a: {  	s8 =	sadd.s32 $0xFFFFE003, lr  }
0x1b: {  	s9 =	sadd.s32 $0xFFFFFEF7, lr;
	s5 =	simm.s32 $0xFFFFFFFF;
	p2 =	slt.u32 s8, $0xFFFFF086  }
0x1c: {  	p1 =	slt.u32 s9, $0xF7A;
	s5 =	simm.s32 @!p2 $0x0  }
0x1d: {  	s5 =	simm.s32 @p1 $0x1;
	p0 =	seq.s32 s7, s2  }
0x1e: {  	s7 =	smul.u32 @!p0 $0xF7A, s2;
	p2 =	seq.s32 @!p0 s5, $0x0  }
0x1f: {  	s9 =	smul.u32 $0xF7A, s1;
	s8 =	simm.s32 @!p0 $0x1BF5;
	p2 =	por !p2, p0  }
0x20: {  	[sflag:s8] =	ssyncset.s32 @!p0 $0xFFFFF086;
	s6 =	sadd.s32 @!p0 s3, s7;
	s7 =	simm.s32 @!p0 $0x108  }
0x21: {  	s3 =	sadd.s32 s3, s9;
	s6 =	sadd.s32 @!p0 $0x88, s6;
	s7 =	simm.s32 @p2 $0x1082  }
0x22: {  	[simem:s7], [sflag:s8] =	dma.local @!p0 [hbm:s6], $0xF7A  }
0x23: {  	s9 =	sor.u32 $0xD0000000, s2;
	s6 =	simm.s32 $0x108;
	_ =	swait.ge @!p0 [sflag:s8], $0x0  }
0x24: {  	s3 =	sadd.s32 $0x88, s3;
	s6 =	simm.s32 @!p1 $0x1082;
	[sflag:s4] =	ssyncset.s32 $0xFFFFF086  }
0x25: {  	[simem:s6], [sflag:s4] =	dma.local [hbm:s3], $0xF7A  }
0x26: {  	[smem:$0x3FA0] =	sst s1;
	(tag) =	ssettag s2;
	_ =	strace s9  }
0x27: {  	s1 =	sld [smem:$0x3FB0]  }
0x28: {  	s2 =	sld [smem:$0x3FB1]  }
0x29: {  	s4 =	sld [smem:$0x3FB3]  }
0x2a: {  	p0 =	seq.s32 s5, $0x0;
	s5 =	sld [smem:$0x3FB4]  }
0x2b: {  	s6 =	sld [smem:$0x3FB5]  }
0x2c: {  	s7 =	sld [smem:$0x3FB6]  }
0x2d: {  	s3 =	simm.s32 $0x108;
	s8 =	sld [smem:$0x3FB7]  }
0x2e: {  	s3 =	simm.s32 @!p0 $0x1082;
	s9 =	sld [smem:$0x3FB8]  }
0x2f: {  	lr =	sadd.s32 s0, s3;
	s0 =	sld [smem:$0x3FAF]  }
0x30: {  	s3 =	sld [smem:$0x3FB2]  }
0x31: {  	[smem:$0x3FBB] =	sst s10  }
0x32: {  	s10 =	sld [smem:$0x3FB9];
	_ =	sdelay $0x3  }
0x33: {  	p0 =	seq.s32 s10, $0x1;
	s10 =	sld [smem:$0x3FBB];
	_ =	sdelay $0x3  }
0x34: {  	[smem:$0x3FBB] =	sst s10  }
0x35: {  	s10 =	sld [smem:$0x3FBA];
	_ =	sdelay $0x3  }
0x36: {  	p1 =	seq.s32 s10, $0x1;
	s10 =	sld [smem:$0x3FBB];
	_ =	sdelay $0x3  }
0x37: {  	[smem:$0x3FBB] =	sst s10  }
0x38: {  	s10 =	sld [smem:$0x3FBC]  }
0x39: {  	_ = 	snop;
	(pc) =	sbr.ind lr, $3  }
0x3a: {  	_ = 	snop  }
0x3b: {  	_ = 	snop  }
0x3c: {  	p2 =	seq.s32 s10, $0x1;
	s10 =	sld [smem:$0x3FBB]  }
0x3d: {  	_ =	shalt  }
0x3e: {  	_ =	shalt  }
0x3f: {  	_ =	shalt  }
0x40: {  	_ =	shalt  }
0x41: {  	_ =	shalt  }
0x42: {  	_ =	shalt  }
0x43: {  	_ =	shalt  }
0x44: {  	_ =	shalt  }
0x45: {  	_ =	shalt  }
0x46: {  	_ =	shalt  }
0x47: {  	_ =	shalt  }
0x48: {  	_ =	shalt  }
0x49: {  	_ =	shalt  }
0x4a: {  	_ =	shalt  }
0x4b: {  	_ =	shalt  }
0x4c: {  	_ =	shalt  }
0x4d: {  	_ =	shalt  }
0x4e: {  	_ =	shalt  }
0x4f: {  	_ =	shalt  }
0x50: {  	_ =	shalt  }
0x51: {  	_ =	shalt  }
0x52: {  	_ =	shalt  }
0x53: {  	_ =	shalt  }
0x54: {  	_ =	shalt  }
0x55: {  	_ =	shalt  }
0x56: {  	_ =	shalt  }
0x57: {  	_ =	shalt  }
0x58: {  	_ =	shalt  }
0x59: {  	_ =	shalt  }
0x5a: {  	_ =	shalt  }
0x5b: {  	_ =	shalt  }
0x5c: {  	_ =	shalt  }
0x5d: {  	_ =	shalt  }
0x5e: {  	_ =	shalt  }
0x5f: {  	_ =	shalt  }
0x60: {  	_ =	shalt  }
0x61: {  	_ =	shalt  }
0x62: {  	_ =	shalt  }
0x63: {  	_ =	shalt  }
0x64: {  	_ =	shalt  }
0x65: {  	_ =	shalt  }
0x66: {  	_ =	shalt  }
0x67: {  	_ =	shalt  }
0x68: {  	_ =	shalt  }
0x69: {  	_ =	shalt  }
0x6a: {  	_ =	shalt  }
0x6b: {  	_ =	shalt  }
0x6c: {  	_ =	shalt  }
0x6d: {  	_ =	shalt  }
0x6e: {  	_ =	shalt  }
0x6f: {  	_ =	shalt  }
0x70: {  	_ =	shalt  }
0x71: {  	_ =	shalt  }
0x72: {  	_ =	shalt  }
0x73: {  	_ =	shalt  }
0x74: {  	_ =	shalt  }
0x75: {  	_ =	shalt  }
0x76: {  	_ =	shalt  }
0x77: {  	_ =	shalt  }
0x78: {  	_ =	shalt  }
0x79: {  	_ =	shalt  }
0x7a: {  	_ =	shalt  }
0x7b: {  	_ =	shalt  }
0x7c: {  	_ =	shalt  }
0x7d: {  	_ =	shalt  }
0x7e: {  	_ =	shalt  }
0x7f: {  	_ =	shalt  }
0x80: {  	_ =	shalt  }
0x81: {  	_ =	shalt  }
0x82: {  	_ =	shalt  }
0x83: {  	_ =	shalt  }
0x84: {  	_ =	shalt  }
0x85: {  	_ =	shalt  }
0x86: {  	_ =	shalt  }
0x87: {  	_ =	shalt  }
.Lfunc_end0:
.L_simem_size_0:
called_computation_lowered:
.L_overlay_start_0:
0x88: {  	s2 =	sld [smem:$0x3FD9]  }
0x89: {  	s3 =	sld [smem:$0x3FFE];
	_ =	sdelay $0x1  }
0x8a: {  	s1 =	srdreg.scid  }
0x8b: {  	s0 =	sand.u32 $0x1, s1  }
0x8c: {  	s14 =	sshll.u32 s0, $0xA;
	s2 =	sadd.s32 s3, s2  }
0x8d: {  	s2 =	sadd.s32 s2, s14  }
0x8e: {  	[smem:$0x3FC7] =	sst s2  }
0x8f: {  	_ = 	snop  }
0x90: {  	s2 =	sld [smem:$0x3FD0];
	_ =	sdelay $0x2  }
0x91: {  	s15 =	simm.s32 $0xA;
	s4 =	simm.s32 $0x10  }
0x92: {  	[smem:s4], [sflag:s15] =	dma.local [hbm:s2], $0x1  }
0x93: {  	_ =	swait.eq [sflag:s15], $0x1  }
0x94: {  	[sflag:s15] =	ssyncset.done $0x0  }
0x95: {  	[sflag:s15] =	ssyncadd.s32 $0xFFFFFFFF  }
0x96: {  	s16 =	sld [smem:$0x11];
	(tm) =	ssettm $0x1  }
0x97: {  	s17 =	sld [smem:$0x3FFB];
	_ =	sdelay $0x3  }
0x98: {  	_ =	strace s17  }
0x99: {  	s3 =	sld [smem:$0x3FFC];
	_ =	sdelay $0x3  }
0x9a: {  	_ =	strace s3  }
0x9b: {  	s3 =	sld [smem:$0x3FFD];
	_ =	sdelay $0x3  }
0x9c: {  	_ =	strace s3  }
0x9d: {  	_ =	strace $0x8FFFFFFF  }
0x9e: {  	s18 =	sld [smem:$0x3FDB];
	_ =	sdelay $0x1  }
0x9f: {  	s19 =	simm.s32 $_scs_section_size  }
0xa0: {  	s5 =	simm.s32 $_size__tile_overlayer_lowered;
	s6 =	simm.s32 $_tile_overlayer_lowered  }
0xa1: {  	s22 =	simm.s32 $0x1BFF;
	s21 =	sshll.u32 s6, $0x1;
	s3 =	sadd.s32 s19, s18  }
0xa2: {  	s7 =	simm.s32 $0x0;
	s20 =	sshll.u32 s5, $0x1;
	s5 =	sadd.s32 s21, s3  }
0xa3: {  	[timem:s7], [sflag:s22] =	dma.local [hbm:s5], s20  }
0xa4: {  	_ =	swait.ge [sflag:s22], s20  }
0xa5: {  	s4 =	ssub.s32 $0x0, s20;
	[sflag:s22] =	ssyncset.done $0x0  }
0xa6: {  	[sflag:s22] =	ssyncadd.s32 s4;
	_ =	sdelay $0x1  }
0xa7: {  	s23 =	simm.s32 $0x1B8B  }
0xa8: {  	_ =	swait.ge [sflag:s23], $0x1  }
0xa9: {  	[sflag:s23] =	ssyncset.done $0x0  }
0xaa: {  	s25 =	simm.s32 $0x1B8E;
	s24 =	sld [smem:$0x3FFE];
	[sflag:s23] =	ssyncadd.s32 $0xFFFFFFFF  }
0xab: {  	s26 =	simm.s32 $execute0_lowered;
	[smem:$0x3FD2] =	sst s25  }
0xac: {  	s5 =	sshll.u32 s26, $0x1;
	_ =	strace $0x80000046;
	[dreg:$0x1] =	wrdreg $0xFFFFFFFF  }
0xad: {  	s28 =	simm.s32 $_size_execute0_lowered;
	s3 =	sadd.s32 s3, s5;
	[dreg:$0x0] =	wrdreg $0x0  }
0xae: {  	s5 =	sshll.u32 s28, $0x1;
	[dreg:$0x2] =	wrdreg s3  }
0xaf: {  	[dreg:$0x3] =	wrdreg s5  }
0xb0: {  	[dreg:$0x4] =	wrdreg $0xC0  }
0xb1: {  	_ =	task [dreg:s7], $0x5FFFF  }
0xb2: {  	[dreg:$0x1] =	wrdreg $0xFFFFFFFF  }
0xb3: {  	[dreg:$0x0] =	wrdreg $0x60  }
0xb4: {  	[dreg:$0x2] =	wrdreg s16  }
0xb5: {  	[dreg:$0x3] =	wrdreg s24  }
0xb6: {  	[dreg:$0x4] =	wrdreg $0x9  }
0xb7: {  	_ =	task.clear_ibuf [dreg:s7], $0x5FFFF;
	_ =	strace $0x90000046  }
0xb8: {  	s29 =	simm.s32 $0x9;
	_ =	strace $0x80000048  }
0xb9: {  	_ =	swait.ge [sflag:s29], $0x1  }
0xba: {  	[sflag:s29] =	ssyncadd.s32 $0xFFFFFFFF  }
0xbb: {  	_ =	strace $0x90000048  }
0xbc: {  	_ =	sfence  }
0xbd: {  	s30 =	sld [smem:$0x0];
	_ =	sdelay $0x2  }
0xbe: {  	s31 =	sshll.u32 s1, $0xD;
	s1 =	sshrl.u32 s1, $0x2  }
0xbf: {  	s3 =	sand.u32 $0x4000, s31;
	s1 =	sadd.s32 s1, s30  }
0xc0: {  	s0 =	sor.u32 s3, s0;
	s1 =	sshll.u32 s1, $0x11  }
0xc1: {  	s0 =	sor.u32 s1, s0  }
0xc2: {  	s0 =	sadd.s32 $0x8F2B, s0  }
0xc3: {  	[sflag:s0] =	ssyncadd.remote.s32 $0x1  }
0xc4: {  	_ =	sfence.sel $0xFFFF  }
0xc5: {  	[dreg:$0x0] =	wrdreg $0xFFFFFFFF;
	(pc) =	sbr.abs _section_cstart, $3  }
0xc6: {  	[dreg:$0x1] =	wrdreg $0xFFFFFFFF  }
0xc7: {  	_ =	task.clear_ibuf [dreg:s7], $0x2FFFF;
	_ =	strace $0x9FFFFFFF  }
0xc8: {  	(tm) =	ssettm $0x7FFFFFFF  }
0xc9: {  	_ =	shalt  }
tec
execute0_lowered:
.L_overlay_start_1:
0x0: {  	(tag) =	ssettag $0x1  }
0x1: {  	s0 =	srdreg.scid  }
0x2: {  	s3 =	sand.u32 $0x1, s0;
	s0 =	stileid.u32  }
0x3: {  	s4 =	sshll.u32 s0, $0x1;
	s6 =	ssub.s32 $0x0, s3  }
0x4: {  	p0 =	sne.s32 s4, s6  }
.Ltmp0:
0x5: {  	_ = 	snop;
	(pc) =	sbr.rel @p0 .LBB2_4-.Ltmp0, $4  }
0x6: {  	_ = 	snop  }
0x7: {  	s2 =	rddreg [dreg:$0x0]  }
0x8: {  	s5 =	rddreg [dreg:$0x1]  }
0x9: {  	s1 =	rddreg [dreg:$0x2];
	_ =	strace $0x80000047  }
0xa: {  	s6 =	ssub.s32 $0x2, s3;
	s4 =	simm.s32 $0x0  }
0xb: {  	[tilespmem:s4], [sflag:$0x1] =	stream.linear.gather [hbm4b:s2+s4], $0x10, $0x38;
	[tilespmem:$0x80] =	vst v63  }
0xc: {  	s7 =	sshrl.u32 s6, $0x1  }
0xd: {  	s6 =	ssub.s32 s6, s7  }
0xe: {  	s3 =	simm.s32 $0x1;
	s6 =	smax.u32 s6, $0x1  }
0xf: {  	_ =	swait.ge [sflag:s3], $0x10;
	p0 =	sne.s32 s6, $0x1  }
.Ltmp1:
0x10: {  	[sflag:s3] =	ssyncset.done $0x0;
	(pc) =	sbr.rel @!p0 .LBB2_3-.Ltmp1, $4  }
0x11: {  	s5 =	sadd.s32 $0xA00, s5;
	[sflag:s3] =	ssyncadd.s32 $0xFFFFFFF0  }
0x12: {  	[hbm4b:s5+s4] =	stream.linear.scatter [tilespmem:s4], [sflag:$0x1], $0x10, $0x38;
	[tilespmem:$0x80] =	vst v63  }
0x13: {  	_ =	swait.ge [sflag:s3], $0x10  }
0x14: {  	s6 =	sadd.s32 $0xFFFFFFFF, s6;
	[sflag:s3] =	ssyncset.done $0x0  }
.LBB2_2:
0x15: {  	p0 =	sne.s32 s6, $0x1;
	s6 =	sadd.s32 $0xFFFFFFFF, s6;
	[sflag:s3] =	ssyncadd.s32 $0xFFFFFFF0  }
0x16: {  	[tilespmem:s4], [sflag:$0x1] =	stream.linear.gather [hbm4b:s2+s4], $0x10, $0x38;
	[tilespmem:$0x80] =	vst v63  }
0x17: {  	_ =	swait.ge [sflag:s3], $0x10  }
.Ltmp2:
0x18: {  	[sflag:s3] =	ssyncset.done $0x0;
	(pc) =	sbr.rel @p0 .LBB2_2-.Ltmp2, $4  }
0x19: {  	[sflag:s3] =	ssyncadd.s32 $0xFFFFFFF0  }
0x1a: {  	[hbm4b:s5+s4] =	stream.linear.scatter [tilespmem:s4], [sflag:$0x1], $0x10, $0x38;
	[tilespmem:$0x80] =	vst v63  }
0x1b: {  	_ =	swait.ge [sflag:s3], $0x10  }
0x1c: {  	[sflag:s3] =	ssyncset.done $0x0  }
.LBB2_3:
0x1d: {  	[sflag:s3] =	ssyncadd.s32 $0xFFFFFFF0  }
.LBB2_4:
0x1e: {  	_ =	sfence.sel $0x180000  }
0x1f: {  	[bflag:$0x0] =	sbarrier.arrive $0xFFFF  }
0x20: {  	p0 =	sne.s32 s0, $0x0;
	_ =	strace $0x90000047  }
0x21: {  	s0 =	sadd.s32 @!p0 $0x100000, s1;
	[bflag:$0x2] =	sbarrier.arrive $0xFFFF  }
0x22: {  	[sflag:s0] =	ssyncadd.tile.s32 @!p0 $0x1;
	_ =	shalt  }
.Lfunc_end2:
_tile_overlayer_lowered:
.L_overlay_start_2:
0x23: {  	(tag) =	ssettag $0x2  }
0x24: {  	s0 =	rddreg [dreg:$0x0];
	s2 =	stileid.u32  }
0x25: {  	s1 =	rddreg [dreg:$0x1];
	p0 =	sne.s32 s2, $0x0  }
0x26: {  	s3 =	rddreg [dreg:$0x2];
	[bflag:$0x3] =	sbarrier.arrive $0xFFFF;
	s2 =	simm.s32 @!p0 $0x1C01  }
0x27: {  	[timem:s3], [sflag:s2] =	dma.local @!p0 [hbm:s0], s1  }
0x28: {  	s0 =	simm.s32 @!p0 $0x1  }
0x29: {  	_ =	swait.ge @!p0 [sflag:s0], s1  }
0x2a: {  	s1 =	ssub.s32 @!p0 $0x0, s1;
	[sflag:s0] =	ssyncset.done @!p0 $0x0  }
0x2b: {  	[sflag:s0] =	ssyncadd.s32 @!p0 s1  }
0x2c: {  	[bflag:$0x3] =	sbarrier.arrive $0xFFFF  }
0x2d: {  	_ =	shalt  }

</sc_bundles>
